<compile_context>
chip_gen: v7x
topology: tpu7x:2x2x1
jax: 0.10.2.dev20260603
libtpu: 0.0.44.dev20260713+nightly
codegen_flags: <defaults>
</compile_context>

<pallas_src>
import jax
import jax.numpy as jnp
from jax import lax
from jax.experimental import pallas as pl
from jax.experimental.pallas import tpu as pltpu
from jax.experimental.pallas import tpu_sc as plsc

N_NODES_ = 100_000
N_EDGES_ = 6_400_000
B = 2000
NW = 32
CHUNKS_PER_W = N_EDGES_ // (B * NW)

_GATHER_DNUMS = lax.GatherDimensionNumbers(
    offset_dims=(), collapsed_slice_dims=(0,), start_index_map=(0,))


def _vperm(x, idx):
    return lax.gather(x, idx[:, None], _GATHER_DNUMS, slice_sizes=(1,),
                      mode=lax.GatherScatterMode.PROMISE_IN_BOUNDS)


def _sc_body(px_hbm, py_hbm, pz_hbm, src_hbm, dst_hbm, off_hbm, cell_hbm,
             out_hbm,
             px_s, py_s, pz_s,
             sidx_v, didx_v, off_v,
             gxs_v, gys_v, gzs_v, gxd_v, gyd_v, gzd_v,
             dist_v, cell_v, semg):
    c = lax.axis_index("c")
    s = lax.axis_index("s")
    w = s * 2 + c

    @pl.when(s == 0)
    def _fill():
        pltpu.sync_copy(px_hbm, px_s)
        pltpu.sync_copy(py_hbm, py_s)
        pltpu.sync_copy(pz_hbm, pz_s)

    pltpu.sync_copy(cell_hbm, cell_v)
    plsc.subcore_barrier()

    iota = lax.iota(jnp.int32, 16)
    zero = iota * 0
    cvec = cell_v[pl.ds(0, 16)]
    cw = [[_vperm(cvec, zero + (3 * r + k)) for k in range(3)]
          for r in range(3)]
    flat = [3 * iota + cc for cc in range(3)]
    loc = [f & 15 for f in flat]
    in0 = [(f >> 4) == 0 for f in flat]
    in1 = [(f >> 4) == 1 for f in flat]

    def chunk_body(j, carry):
        base = (w * CHUNKS_PER_W + j) * B
        pltpu.sync_copy(src_hbm.at[pl.ds(base, B)], sidx_v)
        pltpu.sync_copy(dst_hbm.at[pl.ds(base, B)], didx_v)
        pltpu.sync_copy(off_hbm.at[pl.ds(3 * base, 3 * B)], off_v)
        cps = [
            pltpu.async_copy(px_s.at[sidx_v], gxs_v, semg),
            pltpu.async_copy(py_s.at[sidx_v], gys_v, semg),
            pltpu.async_copy(pz_s.at[sidx_v], gzs_v, semg),
            pltpu.async_copy(px_s.at[didx_v], gxd_v, semg),
            pltpu.async_copy(py_s.at[didx_v], gyd_v, semg),
            pltpu.async_copy(pz_s.at[didx_v], gzd_v, semg),
        ]
        for cp in cps:
            cp.wait()

        def cvec(v, carry2):
            w0 = off_v[pl.ds(48 * v, 16)]
            w1 = off_v[pl.ds(48 * v + 16, 16)]
            w2 = off_v[pl.ds(48 * v + 32, 16)]
            o = [jnp.where(in0[cc], _vperm(w0, loc[cc]),
                           jnp.where(in1[cc], _vperm(w1, loc[cc]),
                                     _vperm(w2, loc[cc])))
                 for cc in range(3)]
            pbx = o[0] * cw[0][0] + o[1] * cw[1][0] + o[2] * cw[2][0]
            pby = o[0] * cw[0][1] + o[1] * cw[1][1] + o[2] * cw[2][1]
            pbz = o[0] * cw[0][2] + o[1] * cw[1][2] + o[2] * cw[2][2]
            sl = pl.ds(16 * v, 16)
            dx = gxd_v[sl] - gxs_v[sl] - pbx
            dy = gyd_v[sl] - gys_v[sl] - pby
            dz = gzd_v[sl] - gzs_v[sl] - pbz
            d2 = dx * dx + dy * dy + dz * dz
            xc = jnp.maximum(d2, jnp.float32(1e-30))
            i = lax.bitcast_convert_type(xc, jnp.int32)
            y = lax.bitcast_convert_type(0x5F3759DF - (i >> 1), jnp.float32)
            for _ in range(3):
                y = y * (1.5 - 0.5 * xc * y * y)
            dist_v[sl] = d2 * y
            return carry2

        lax.fori_loop(0, B // 16, cvec, 0)
        pltpu.sync_copy(dist_v, out_hbm.at[pl.ds(base, B)])
        return carry

    lax.fori_loop(0, CHUNKS_PER_W, chunk_body, 0)


@jax.jit
def kernel(pos, edge_index, offsets, cell_vectors):
    posx = jnp.asarray(pos[:, 0], jnp.float32)
    posy = jnp.asarray(pos[:, 1], jnp.float32)
    posz = jnp.asarray(pos[:, 2], jnp.float32)
    src = edge_index[0].astype(jnp.int32)
    dst = edge_index[1].astype(jnp.int32)
    offf = offsets.reshape(-1)
    cellf = jnp.pad(cell_vectors.astype(jnp.float32).reshape(-1), (0, 7))

    mesh = plsc.VectorSubcoreMesh(core_axis_name="c", subcore_axis_name="s")
    f = pl.kernel(
        _sc_body,
        mesh=mesh,
        out_type=jax.ShapeDtypeStruct((N_EDGES_,), jnp.float32),
        scratch_types=[
            pltpu.VMEM_SHARED((N_NODES_,), jnp.float32),
            pltpu.VMEM_SHARED((N_NODES_,), jnp.float32),
            pltpu.VMEM_SHARED((N_NODES_,), jnp.float32),
            pltpu.VMEM((B,), jnp.int32),
            pltpu.VMEM((B,), jnp.int32),
            pltpu.VMEM((3 * B,), jnp.float32),
            pltpu.VMEM((B,), jnp.float32),
            pltpu.VMEM((B,), jnp.float32),
            pltpu.VMEM((B,), jnp.float32),
            pltpu.VMEM((B,), jnp.float32),
            pltpu.VMEM((B,), jnp.float32),
            pltpu.VMEM((B,), jnp.float32),
            pltpu.VMEM((B,), jnp.float32),
            pltpu.VMEM((16,), jnp.float32),
            pltpu.SemaphoreType.DMA,
        ],
    )
    return f(posx, posy, posz, src, dst, offf, cellf)

# --- scband reference (transcript-rebuilt; emitter-appended) ---
"""Pipeline reference for scband-pbcconv-layer-29076928594666 (READ-ONLY COPY).

The authoritative reference and input builder live on the scoring server;
editing this copy changes nothing except your own understanding.
"""

import jax, jax.numpy as jnp
import numpy as np

N_NODES = 100000
N_EDGES = 6400000


def setup_inputs(seed: int = 0) -> dict:
    key = jax.random.key(seed)
    k1, k2, k3, k4 = jax.random.split(key, 4)
    pos = jax.random.normal(k1, (N_NODES, 3), dtype=jnp.float32)
    edge_index = jax.random.randint(k2, (2, N_EDGES), 0, N_NODES, dtype=jnp.int64)
    offsets = jax.random.normal(k3, (N_EDGES, 3), dtype=jnp.float32)
    cell_vectors = jax.random.normal(k4, (3, 3), dtype=jnp.float32)
    return {"pos": pos, "edge_index": edge_index, "offsets": offsets, "cell_vectors": cell_vectors}


def reference(pos, edge_index, offsets, cell_vectors):
    # gather destination-node positions
    to_move = jnp.take(pos, edge_index[1], axis=0)
    # periodic boundary condition adjustments
    pbc_adjustments = jnp.matmul(offsets, cell_vectors)
    corrected = to_move - pbc_adjustments
    # gather source-node positions and compute per-edge distances
    src = jnp.take(pos, edge_index[0], axis=0)
    distances = jnp.linalg.norm(corrected - src, axis=-1)
    return distances

if __name__ == "__main__":
    import jax
    _d = setup_inputs()
    print(jax.jit(kernel)(*tuple(_d.values())))

</pallas_src>

<mosaic_0001>
#map = affine_map<(d0, d1) -> (0)>
module attributes {stable_mosaic.version = 14 : i64} {
  func.func @_sc_body(%arg0: i32, %arg1: i32, %arg2: memref<100000xf32, #tpu.memory_space<hbm>>, %arg3: memref<100000xf32, #tpu.memory_space<hbm>>, %arg4: memref<100000xf32, #tpu.memory_space<hbm>>, %arg5: memref<6400000xi32, #tpu.memory_space<hbm>>, %arg6: memref<6400000xi32, #tpu.memory_space<hbm>>, %arg7: memref<19200000xf32, #tpu.memory_space<hbm>>, %arg8: memref<16xf32, #tpu.memory_space<hbm>>, %arg9: memref<6400000xf32, #tpu.memory_space<hbm>>, %arg10: memref<100000xf32, #tpu.memory_space<vmem_shared>>, %arg11: memref<100000xf32, #tpu.memory_space<vmem_shared>>, %arg12: memref<100000xf32, #tpu.memory_space<vmem_shared>>, %arg13: memref<2000xi32, #tpu.memory_space<vmem>>, %arg14: memref<2000xi32, #tpu.memory_space<vmem>>, %arg15: memref<6000xf32, #tpu.memory_space<vmem>>, %arg16: memref<2000xf32, #tpu.memory_space<vmem>>, %arg17: memref<2000xf32, #tpu.memory_space<vmem>>, %arg18: memref<2000xf32, #tpu.memory_space<vmem>>, %arg19: memref<2000xf32, #tpu.memory_space<vmem>>, %arg20: memref<2000xf32, #tpu.memory_space<vmem>>, %arg21: memref<2000xf32, #tpu.memory_space<vmem>>, %arg22: memref<2000xf32, #tpu.memory_space<vmem>>, %arg23: memref<16xf32, #tpu.memory_space<vmem>>, %arg24: memref<!tpu.dma_semaphore, #tpu.memory_space<semaphore_mem>>) attributes {dimension_semantics = [#tpu.dimension_semantics<core_parallel>, #tpu.dimension_semantics<subcore_parallel>], iteration_bounds = array<i64: 2, 16>, scalar_prefetch = 0 : i64, scratch_operands = 15 : i64, tpu.core_type = #tpu.core_type<sc_vector_subcore>, window_params = [{transform_indices = #map}, {transform_indices = #map}, {transform_indices = #map}, {transform_indices = #map}, {transform_indices = #map}, {transform_indices = #map}, {transform_indices = #map}, {transform_indices = #map}]} {
    %mul3A = arith.constant 2 : i32
    %mul3A_0 = arith.muli %arg1, %mul3A : i32
    %add3A = arith.addi %mul3A_0, %arg0 : i32
    %eq3A = arith.constant 0 : i32
    %eq3A_1 = arith.cmpi eq, %arg1, %eq3A : i32
    %convert_element_type3A = arith.extui %eq3A_1 : i1 to i32
    %cond3A = arith.constant 0 : i32
    %cond3A_2 = arith.cmpi ne, %convert_element_type3A, %cond3A : i32
    scf.if %cond3A_2 {
      "tpu.region"() ({
        %run_scoped3A = tpu.sem_alloc : memref<!tpu.dma_semaphore, #tpu.memory_space<semaphore_mem>>
        tpu.enqueue_dma source(%arg2 : memref<100000xf32, #tpu.memory_space<hbm>>) target(%arg10 : memref<100000xf32, #tpu.memory_space<vmem_shared>>) target_semaphore(%run_scoped3A : memref<!tpu.dma_semaphore, #tpu.memory_space<semaphore_mem>>)
        tpu.wait_dma2 semaphore(%run_scoped3A : memref<!tpu.dma_semaphore, #tpu.memory_space<semaphore_mem>>) src(%arg2 : memref<100000xf32, #tpu.memory_space<hbm>>) dst(%arg10 : memref<100000xf32, #tpu.memory_space<vmem_shared>>)
        tpu.yield
      }) : () -> ()
      "tpu.region"() ({
        %run_scoped3A = tpu.sem_alloc : memref<!tpu.dma_semaphore, #tpu.memory_space<semaphore_mem>>
        tpu.enqueue_dma source(%arg3 : memref<100000xf32, #tpu.memory_space<hbm>>) target(%arg11 : memref<100000xf32, #tpu.memory_space<vmem_shared>>) target_semaphore(%run_scoped3A : memref<!tpu.dma_semaphore, #tpu.memory_space<semaphore_mem>>)
        tpu.wait_dma2 semaphore(%run_scoped3A : memref<!tpu.dma_semaphore, #tpu.memory_space<semaphore_mem>>) src(%arg3 : memref<100000xf32, #tpu.memory_space<hbm>>) dst(%arg11 : memref<100000xf32, #tpu.memory_space<vmem_shared>>)
        tpu.yield
      }) : () -> ()
      "tpu.region"() ({
        %run_scoped3A = tpu.sem_alloc : memref<!tpu.dma_semaphore, #tpu.memory_space<semaphore_mem>>
        tpu.enqueue_dma source(%arg4 : memref<100000xf32, #tpu.memory_space<hbm>>) target(%arg12 : memref<100000xf32, #tpu.memory_space<vmem_shared>>) target_semaphore(%run_scoped3A : memref<!tpu.dma_semaphore, #tpu.memory_space<semaphore_mem>>)
        tpu.wait_dma2 semaphore(%run_scoped3A : memref<!tpu.dma_semaphore, #tpu.memory_space<semaphore_mem>>) src(%arg4 : memref<100000xf32, #tpu.memory_space<hbm>>) dst(%arg12 : memref<100000xf32, #tpu.memory_space<vmem_shared>>)
        tpu.yield
      }) : () -> ()
    } else {
    }
    "tpu.region"() ({
      %run_scoped3A = tpu.sem_alloc : memref<!tpu.dma_semaphore, #tpu.memory_space<semaphore_mem>>
      tpu.enqueue_dma source(%arg8 : memref<16xf32, #tpu.memory_space<hbm>>) target(%arg23 : memref<16xf32, #tpu.memory_space<vmem>>) target_semaphore(%run_scoped3A : memref<!tpu.dma_semaphore, #tpu.memory_space<semaphore_mem>>)
      tpu.wait_dma2 semaphore(%run_scoped3A : memref<!tpu.dma_semaphore, #tpu.memory_space<semaphore_mem>>) src(%arg8 : memref<16xf32, #tpu.memory_space<hbm>>) dst(%arg23 : memref<16xf32, #tpu.memory_space<vmem>>)
      tpu.yield
    }) : () -> ()
    %barrier3A = arith.constant 0 : index
    tpu.barrier barrier_id(%barrier3A)
    %iota3A = tpu.iota {dimensions = array<i32: 0>} : vector<16xi32>
    %mul3A_3 = arith.constant 0 : i32
    %mul3A_4 = vector.broadcast %mul3A_3 : i32 to vector<16xi32>
    %mul3A_5 = arith.muli %iota3A, %mul3A_4 : vector<16xi32>
    %get3A = arith.constant 0 : index
    %get3A_6 = tpu.vector_load %arg23[%get3A] {strides = array<i32>} : memref<16xf32, #tpu.memory_space<vmem>>, vector<16xf32>,
    %get3A_7 = vector.shape_cast %get3A_6 : vector<16xf32> to vector<16xf32>
    %add3A_8 = arith.constant 0 : i32
    %add3A_9 = vector.broadcast %add3A_8 : i32 to vector<16xi32>
    %add3A_10 = arith.addi %mul3A_5, %add3A_9 : vector<16xi32>
    %broadcast_in_dim3A = vector.shape_cast %add3A_10 : vector<16xi32> to vector<16x1xi32>
    %gather3A = vector.shape_cast %broadcast_in_dim3A : vector<16x1xi32> to vector<16xi32>
    %gather3A_11 = tpu.dynamic_gather %get3A_7[%gather3A] in [0] : vector<16xf32>, vector<16xi32> -> vector<16xf32>
    %add3A_12 = arith.constant 1 : i32
    %add3A_13 = vector.broadcast %add3A_12 : i32 to vector<16xi32>
    %add3A_14 = arith.addi %mul3A_5, %add3A_13 : vector<16xi32>
    %broadcast_in_dim3A_15 = vector.shape_cast %add3A_14 : vector<16xi32> to vector<16x1xi32>
    %gather3A_16 = vector.shape_cast %broadcast_in_dim3A_15 : vector<16x1xi32> to vector<16xi32>
    %gather3A_17 = tpu.dynamic_gather %get3A_7[%gather3A_16] in [0] : vector<16xf32>, vector<16xi32> -> vector<16xf32>
    %add3A_18 = arith.constant 2 : i32
    %add3A_19 = vector.broadcast %add3A_18 : i32 to vector<16xi32>
    %add3A_20 = arith.addi %mul3A_5, %add3A_19 : vector<16xi32>
    %broadcast_in_dim3A_21 = vector.shape_cast %add3A_20 : vector<16xi32> to vector<16x1xi32>
    %gather3A_22 = vector.shape_cast %broadcast_in_dim3A_21 : vector<16x1xi32> to vector<16xi32>
    %gather3A_23 = tpu.dynamic_gather %get3A_7[%gather3A_22] in [0] : vector<16xf32>, vector<16xi32> -> vector<16xf32>
    %add3A_24 = arith.constant 3 : i32
    %add3A_25 = vector.broadcast %add3A_24 : i32 to vector<16xi32>
    %add3A_26 = arith.addi %mul3A_5, %add3A_25 : vector<16xi32>
    %broadcast_in_dim3A_27 = vector.shape_cast %add3A_26 : vector<16xi32> to vector<16x1xi32>
    %gather3A_28 = vector.shape_cast %broadcast_in_dim3A_27 : vector<16x1xi32> to vector<16xi32>
    %gather3A_29 = tpu.dynamic_gather %get3A_7[%gather3A_28] in [0] : vector<16xf32>, vector<16xi32> -> vector<16xf32>
    %add3A_30 = arith.constant 4 : i32
    %add3A_31 = vector.broadcast %add3A_30 : i32 to vector<16xi32>
    %add3A_32 = arith.addi %mul3A_5, %add3A_31 : vector<16xi32>
    %broadcast_in_dim3A_33 = vector.shape_cast %add3A_32 : vector<16xi32> to vector<16x1xi32>
    %gather3A_34 = vector.shape_cast %broadcast_in_dim3A_33 : vector<16x1xi32> to vector<16xi32>
    %gather3A_35 = tpu.dynamic_gather %get3A_7[%gather3A_34] in [0] : vector<16xf32>, vector<16xi32> -> vector<16xf32>
    %add3A_36 = arith.constant 5 : i32
    %add3A_37 = vector.broadcast %add3A_36 : i32 to vector<16xi32>
    %add3A_38 = arith.addi %mul3A_5, %add3A_37 : vector<16xi32>
    %broadcast_in_dim3A_39 = vector.shape_cast %add3A_38 : vector<16xi32> to vector<16x1xi32>
    %gather3A_40 = vector.shape_cast %broadcast_in_dim3A_39 : vector<16x1xi32> to vector<16xi32>
    %gather3A_41 = tpu.dynamic_gather %get3A_7[%gather3A_40] in [0] : vector<16xf32>, vector<16xi32> -> vector<16xf32>
    %add3A_42 = arith.constant 6 : i32
    %add3A_43 = vector.broadcast %add3A_42 : i32 to vector<16xi32>
    %add3A_44 = arith.addi %mul3A_5, %add3A_43 : vector<16xi32>
    %broadcast_in_dim3A_45 = vector.shape_cast %add3A_44 : vector<16xi32> to vector<16x1xi32>
    %gather3A_46 = vector.shape_cast %broadcast_in_dim3A_45 : vector<16x1xi32> to vector<16xi32>
    %gather3A_47 = tpu.dynamic_gather %get3A_7[%gather3A_46] in [0] : vector<16xf32>, vector<16xi32> -> vector<16xf32>
    %add3A_48 = arith.constant 7 : i32
    %add3A_49 = vector.broadcast %add3A_48 : i32 to vector<16xi32>
    %add3A_50 = arith.addi %mul3A_5, %add3A_49 : vector<16xi32>
    %broadcast_in_dim3A_51 = vector.shape_cast %add3A_50 : vector<16xi32> to vector<16x1xi32>
    %gather3A_52 = vector.shape_cast %broadcast_in_dim3A_51 : vector<16x1xi32> to vector<16xi32>
    %gather3A_53 = tpu.dynamic_gather %get3A_7[%gather3A_52] in [0] : vector<16xf32>, vector<16xi32> -> vector<16xf32>
    %add3A_54 = arith.constant 8 : i32
    %add3A_55 = vector.broadcast %add3A_54 : i32 to vector<16xi32>
    %add3A_56 = arith.addi %mul3A_5, %add3A_55 : vector<16xi32>
    %broadcast_in_dim3A_57 = vector.shape_cast %add3A_56 : vector<16xi32> to vector<16x1xi32>
    %gather3A_58 = vector.shape_cast %broadcast_in_dim3A_57 : vector<16x1xi32> to vector<16xi32>
    %gather3A_59 = tpu.dynamic_gather %get3A_7[%gather3A_58] in [0] : vector<16xf32>, vector<16xi32> -> vector<16xf32>
    %mul3A_60 = arith.constant 3 : i32
    %mul3A_61 = vector.broadcast %mul3A_60 : i32 to vector<16xi32>
    %mul3A_62 = arith.muli %mul3A_61, %iota3A : vector<16xi32>
    %add3A_63 = arith.constant 0 : i32
    %add3A_64 = vector.broadcast %add3A_63 : i32 to vector<16xi32>
    %add3A_65 = arith.addi %mul3A_62, %add3A_64 : vector<16xi32>
    %mul3A_66 = arith.constant 3 : i32
    %mul3A_67 = vector.broadcast %mul3A_66 : i32 to vector<16xi32>
    %mul3A_68 = arith.muli %mul3A_67, %iota3A : vector<16xi32>
    %add3A_69 = arith.constant 1 : i32
    %add3A_70 = vector.broadcast %add3A_69 : i32 to vector<16xi32>
    %add3A_71 = arith.addi %mul3A_68, %add3A_70 : vector<16xi32>
    %mul3A_72 = arith.constant 3 : i32
    %mul3A_73 = vector.broadcast %mul3A_72 : i32 to vector<16xi32>
    %mul3A_74 = arith.muli %mul3A_73, %iota3A : vector<16xi32>
    %add3A_75 = arith.constant 2 : i32
    %add3A_76 = vector.broadcast %add3A_75 : i32 to vector<16xi32>
    %add3A_77 = arith.addi %mul3A_74, %add3A_76 : vector<16xi32>
    %and3A = arith.constant 15 : i32
    %and3A_78 = vector.broadcast %and3A : i32 to vector<16xi32>
    %and3A_79 = arith.andi %add3A_65, %and3A_78 : vector<16xi32>
    %and3A_80 = arith.constant 15 : i32
    %and3A_81 = vector.broadcast %and3A_80 : i32 to vector<16xi32>
    %and3A_82 = arith.andi %add3A_71, %and3A_81 : vector<16xi32>
    %and3A_83 = arith.constant 15 : i32
    %and3A_84 = vector.broadcast %and3A_83 : i32 to vector<16xi32>
    %and3A_85 = arith.andi %add3A_77, %and3A_84 : vector<16xi32>
    %shift_right_arithmetic3A = arith.constant 4 : i32
    %shift_right_arithmetic3A_86 = vector.broadcast %shift_right_arithmetic3A : i32 to vector<16xi32>
    %shift_right_arithmetic3A_87 = arith.shrsi %add3A_65, %shift_right_arithmetic3A_86 : vector<16xi32>
    %eq3A_88 = arith.constant 0 : i32
    %eq3A_89 = vector.broadcast %eq3A_88 : i32 to vector<16xi32>
    %eq3A_90 = arith.cmpi eq, %shift_right_arithmetic3A_87, %eq3A_89 : vector<16xi32>
    %shift_right_arithmetic3A_91 = arith.constant 4 : i32
    %shift_right_arithmetic3A_92 = vector.broadcast %shift_right_arithmetic3A_91 : i32 to vector<16xi32>
    %shift_right_arithmetic3A_93 = arith.shrsi %add3A_71, %shift_right_arithmetic3A_92 : vector<16xi32>
    %eq3A_94 = arith.constant 0 : i32
    %eq3A_95 = vector.broadcast %eq3A_94 : i32 to vector<16xi32>
    %eq3A_96 = arith.cmpi eq, %shift_right_arithmetic3A_93, %eq3A_95 : vector<16xi32>
    %shift_right_arithmetic3A_97 = arith.constant 4 : i32
    %shift_right_arithmetic3A_98 = vector.broadcast %shift_right_arithmetic3A_97 : i32 to vector<16xi32>
    %shift_right_arithmetic3A_99 = arith.shrsi %add3A_77, %shift_right_arithmetic3A_98 : vector<16xi32>
    %eq3A_100 = arith.constant 0 : i32
    %eq3A_101 = vector.broadcast %eq3A_100 : i32 to vector<16xi32>
    %eq3A_102 = arith.cmpi eq, %shift_right_arithmetic3A_99, %eq3A_101 : vector<16xi32>
    %shift_right_arithmetic3A_103 = arith.constant 4 : i32
    %shift_right_arithmetic3A_104 = vector.broadcast %shift_right_arithmetic3A_103 : i32 to vector<16xi32>
    %shift_right_arithmetic3A_105 = arith.shrsi %add3A_65, %shift_right_arithmetic3A_104 : vector<16xi32>
    %eq3A_106 = arith.constant 1 : i32
    %eq3A_107 = vector.broadcast %eq3A_106 : i32 to vector<16xi32>
    %eq3A_108 = arith.cmpi eq, %shift_right_arithmetic3A_105, %eq3A_107 : vector<16xi32>
    %shift_right_arithmetic3A_109 = arith.constant 4 : i32
    %shift_right_arithmetic3A_110 = vector.broadcast %shift_right_arithmetic3A_109 : i32 to vector<16xi32>
    %shift_right_arithmetic3A_111 = arith.shrsi %add3A_71, %shift_right_arithmetic3A_110 : vector<16xi32>
    %eq3A_112 = arith.constant 1 : i32
    %eq3A_113 = vector.broadcast %eq3A_112 : i32 to vector<16xi32>
    %eq3A_114 = arith.cmpi eq, %shift_right_arithmetic3A_111, %eq3A_113 : vector<16xi32>
    %shift_right_arithmetic3A_115 = arith.constant 4 : i32
    %shift_right_arithmetic3A_116 = vector.broadcast %shift_right_arithmetic3A_115 : i32 to vector<16xi32>
    %shift_right_arithmetic3A_117 = arith.shrsi %add3A_77, %shift_right_arithmetic3A_116 : vector<16xi32>
    %eq3A_118 = arith.constant 1 : i32
    %eq3A_119 = vector.broadcast %eq3A_118 : i32 to vector<16xi32>
    %eq3A_120 = arith.cmpi eq, %shift_right_arithmetic3A_117, %eq3A_119 : vector<16xi32>
    %scan3A = arith.constant 0 : i32
    %scan3A_121 = arith.constant 0 : i32
    %scan3A_122 = arith.constant 100 : i32
    %scan3A_123 = arith.addi %scan3A_121, %scan3A_122 : i32
    %scan3A_124 = arith.constant 1 : i32
    scf.for %scan3A_126 = %scan3A_121 to %scan3A_123 step %scan3A_124  : i32 {
      %mul3A_127 = arith.constant 100 : i32
      %mul3A_128 = arith.muli %add3A, %mul3A_127 : i32
      %add3A_129 = arith.addi %mul3A_128, %scan3A_126 : i32
      %mul3A_130 = arith.constant 2000 : i32
      %mul3A_131 = arith.muli %add3A_129, %mul3A_130 : i32
      "tpu.region"() ({
        %run_scoped3A = tpu.sem_alloc : memref<!tpu.dma_semaphore, #tpu.memory_space<semaphore_mem>>
        %dma_start3A_162 = tpu.memref_slice %arg5[%mul3A_131] : memref<6400000xi32, #tpu.memory_space<hbm>> -> memref<2000xi32, #tpu.memory_space<hbm>>
        %dma_start3A_163 = tpu.memref_slice %arg5[%mul3A_131] : memref<6400000xi32, #tpu.memory_space<hbm>> -> memref<2000xi32, #tpu.memory_space<hbm>>
        tpu.enqueue_dma source(%dma_start3A_163 : memref<2000xi32, #tpu.memory_space<hbm>>) target(%arg13 : memref<2000xi32, #tpu.memory_space<vmem>>) target_semaphore(%run_scoped3A : memref<!tpu.dma_semaphore, #tpu.memory_space<semaphore_mem>>)
        %dma_wait3A_164 = tpu.memref_slice %arg5[%mul3A_131] : memref<6400000xi32, #tpu.memory_space<hbm>> -> memref<2000xi32, #tpu.memory_space<hbm>>
        %dma_wait3A_165 = tpu.memref_slice %arg5[%mul3A_131] : memref<6400000xi32, #tpu.memory_space<hbm>> -> memref<2000xi32, #tpu.memory_space<hbm>>
        tpu.wait_dma2 semaphore(%run_scoped3A : memref<!tpu.dma_semaphore, #tpu.memory_space<semaphore_mem>>) src(%dma_wait3A_165 : memref<2000xi32, #tpu.memory_space<hbm>>) dst(%arg13 : memref<2000xi32, #tpu.memory_space<vmem>>)
        tpu.yield
      }) : () -> ()
      "tpu.region"() ({
        %run_scoped3A = tpu.sem_alloc : memref<!tpu.dma_semaphore, #tpu.memory_space<semaphore_mem>>
        %dma_start3A_162 = tpu.memref_slice %arg6[%mul3A_131] : memref<6400000xi32, #tpu.memory_space<hbm>> -> memref<2000xi32, #tpu.memory_space<hbm>>
        %dma_start3A_163 = tpu.memref_slice %arg6[%mul3A_131] : memref<6400000xi32, #tpu.memory_space<hbm>> -> memref<2000xi32, #tpu.memory_space<hbm>>
        tpu.enqueue_dma source(%dma_start3A_163 : memref<2000xi32, #tpu.memory_space<hbm>>) target(%arg14 : memref<2000xi32, #tpu.memory_space<vmem>>) target_semaphore(%run_scoped3A : memref<!tpu.dma_semaphore, #tpu.memory_space<semaphore_mem>>)
        %dma_wait3A_164 = tpu.memref_slice %arg6[%mul3A_131] : memref<6400000xi32, #tpu.memory_space<hbm>> -> memref<2000xi32, #tpu.memory_space<hbm>>
        %dma_wait3A_165 = tpu.memref_slice %arg6[%mul3A_131] : memref<6400000xi32, #tpu.memory_space<hbm>> -> memref<2000xi32, #tpu.memory_space<hbm>>
        tpu.wait_dma2 semaphore(%run_scoped3A : memref<!tpu.dma_semaphore, #tpu.memory_space<semaphore_mem>>) src(%dma_wait3A_165 : memref<2000xi32, #tpu.memory_space<hbm>>) dst(%arg14 : memref<2000xi32, #tpu.memory_space<vmem>>)
        tpu.yield
      }) : () -> ()
      %mul3A_132 = arith.constant 3 : i32
      %mul3A_133 = arith.muli %mul3A_132, %mul3A_131 : i32
      "tpu.region"() ({
        %run_scoped3A = tpu.sem_alloc : memref<!tpu.dma_semaphore, #tpu.memory_space<semaphore_mem>>
        %dma_start3A_162 = tpu.memref_slice %arg7[%mul3A_133] : memref<19200000xf32, #tpu.memory_space<hbm>> -> memref<6000xf32, #tpu.memory_space<hbm>>
        %dma_start3A_163 = tpu.memref_slice %arg7[%mul3A_133] : memref<19200000xf32, #tpu.memory_space<hbm>> -> memref<6000xf32, #tpu.memory_space<hbm>>
        tpu.enqueue_dma source(%dma_start3A_163 : memref<6000xf32, #tpu.memory_space<hbm>>) target(%arg15 : memref<6000xf32, #tpu.memory_space<vmem>>) target_semaphore(%run_scoped3A : memref<!tpu.dma_semaphore, #tpu.memory_space<semaphore_mem>>)
        %dma_wait3A_164 = tpu.memref_slice %arg7[%mul3A_133] : memref<19200000xf32, #tpu.memory_space<hbm>> -> memref<6000xf32, #tpu.memory_space<hbm>>
        %dma_wait3A_165 = tpu.memref_slice %arg7[%mul3A_133] : memref<19200000xf32, #tpu.memory_space<hbm>> -> memref<6000xf32, #tpu.memory_space<hbm>>
        tpu.wait_dma2 semaphore(%run_scoped3A : memref<!tpu.dma_semaphore, #tpu.memory_space<semaphore_mem>>) src(%dma_wait3A_165 : memref<6000xf32, #tpu.memory_space<hbm>>) dst(%arg15 : memref<6000xf32, #tpu.memory_space<vmem>>)
        tpu.yield
      }) : () -> ()
      %dma_start3A = arith.constant 0 : i32
      %dma_start3A_134 = tpu.memref_slice %arg10[%dma_start3A] : memref<100000xf32, #tpu.memory_space<vmem_shared>> -> memref<100000xf32, #tpu.memory_space<vmem_shared>>
      tpu.enqueue_indirect_dma source(%dma_start3A_134 : memref<100000xf32, #tpu.memory_space<vmem_shared>>) target(%arg16 : memref<2000xf32, #tpu.memory_space<vmem>>) offsets(%arg13 : memref<2000xi32, #tpu.memory_space<vmem>>) semaphore(%arg24 : memref<!tpu.dma_semaphore, #tpu.memory_space<semaphore_mem>>)
      %dma_start3A_135 = arith.constant 0 : i32
      %dma_start3A_136 = tpu.memref_slice %arg11[%dma_start3A_135] : memref<100000xf32, #tpu.memory_space<vmem_shared>> -> memref<100000xf32, #tpu.memory_space<vmem_shared>>
      tpu.enqueue_indirect_dma source(%dma_start3A_136 : memref<100000xf32, #tpu.memory_space<vmem_shared>>) target(%arg17 : memref<2000xf32, #tpu.memory_space<vmem>>) offsets(%arg13 : memref<2000xi32, #tpu.memory_space<vmem>>) semaphore(%arg24 : memref<!tpu.dma_semaphore, #tpu.memory_space<semaphore_mem>>)
      %dma_start3A_137 = arith.constant 0 : i32
      %dma_start3A_138 = tpu.memref_slice %arg12[%dma_start3A_137] : memref<100000xf32, #tpu.memory_space<vmem_shared>> -> memref<100000xf32, #tpu.memory_space<vmem_shared>>
      tpu.enqueue_indirect_dma source(%dma_start3A_138 : memref<100000xf32, #tpu.memory_space<vmem_shared>>) target(%arg18 : memref<2000xf32, #tpu.memory_space<vmem>>) offsets(%arg13 : memref<2000xi32, #tpu.memory_space<vmem>>) semaphore(%arg24 : memref<!tpu.dma_semaphore, #tpu.memory_space<semaphore_mem>>)
      %dma_start3A_139 = arith.constant 0 : i32
      %dma_start3A_140 = tpu.memref_slice %arg10[%dma_start3A_139] : memref<100000xf32, #tpu.memory_space<vmem_shared>> -> memref<100000xf32, #tpu.memory_space<vmem_shared>>
      tpu.enqueue_indirect_dma source(%dma_start3A_140 : memref<100000xf32, #tpu.memory_space<vmem_shared>>) target(%arg19 : memref<2000xf32, #tpu.memory_space<vmem>>) offsets(%arg14 : memref<2000xi32, #tpu.memory_space<vmem>>) semaphore(%arg24 : memref<!tpu.dma_semaphore, #tpu.memory_space<semaphore_mem>>)
      %dma_start3A_141 = arith.constant 0 : i32
      %dma_start3A_142 = tpu.memref_slice %arg11[%dma_start3A_141] : memref<100000xf32, #tpu.memory_space<vmem_shared>> -> memref<100000xf32, #tpu.memory_space<vmem_shared>>
      tpu.enqueue_indirect_dma source(%dma_start3A_142 : memref<100000xf32, #tpu.memory_space<vmem_shared>>) target(%arg20 : memref<2000xf32, #tpu.memory_space<vmem>>) offsets(%arg14 : memref<2000xi32, #tpu.memory_space<vmem>>) semaphore(%arg24 : memref<!tpu.dma_semaphore, #tpu.memory_space<semaphore_mem>>)
      %dma_start3A_143 = arith.constant 0 : i32
      %dma_start3A_144 = tpu.memref_slice %arg12[%dma_start3A_143] : memref<100000xf32, #tpu.memory_space<vmem_shared>> -> memref<100000xf32, #tpu.memory_space<vmem_shared>>
      tpu.enqueue_indirect_dma source(%dma_start3A_144 : memref<100000xf32, #tpu.memory_space<vmem_shared>>) target(%arg21 : memref<2000xf32, #tpu.memory_space<vmem>>) offsets(%arg14 : memref<2000xi32, #tpu.memory_space<vmem>>) semaphore(%arg24 : memref<!tpu.dma_semaphore, #tpu.memory_space<semaphore_mem>>)
      %dma_wait3A = arith.constant 0 : i32
      %dma_wait3A_145 = tpu.memref_slice %arg10[%dma_wait3A] : memref<100000xf32, #tpu.memory_space<vmem_shared>> -> memref<100000xf32, #tpu.memory_space<vmem_shared>>
      tpu.wait_indirect_dma semaphore(%arg24 : memref<!tpu.dma_semaphore, #tpu.memory_space<semaphore_mem>>) src(%dma_wait3A_145 : memref<100000xf32, #tpu.memory_space<vmem_shared>>) dst(%arg16 : memref<2000xf32, #tpu.memory_space<vmem>>)
      %dma_wait3A_146 = arith.constant 0 : i32
      %dma_wait3A_147 = tpu.memref_slice %arg11[%dma_wait3A_146] : memref<100000xf32, #tpu.memory_space<vmem_shared>> -> memref<100000xf32, #tpu.memory_space<vmem_shared>>
      tpu.wait_indirect_dma semaphore(%arg24 : memref<!tpu.dma_semaphore, #tpu.memory_space<semaphore_mem>>) src(%dma_wait3A_147 : memref<100000xf32, #tpu.memory_space<vmem_shared>>) dst(%arg17 : memref<2000xf32, #tpu.memory_space<vmem>>)
      %dma_wait3A_148 = arith.constant 0 : i32
      %dma_wait3A_149 = tpu.memref_slice %arg12[%dma_wait3A_148] : memref<100000xf32, #tpu.memory_space<vmem_shared>> -> memref<100000xf32, #tpu.memory_space<vmem_shared>>
      tpu.wait_indirect_dma semaphore(%arg24 : memref<!tpu.dma_semaphore, #tpu.memory_space<semaphore_mem>>) src(%dma_wait3A_149 : memref<100000xf32, #tpu.memory_space<vmem_shared>>) dst(%arg18 : memref<2000xf32, #tpu.memory_space<vmem>>)
      %dma_wait3A_150 = arith.constant 0 : i32
      %dma_wait3A_151 = tpu.memref_slice %arg10[%dma_wait3A_150] : memref<100000xf32, #tpu.memory_space<vmem_shared>> -> memref<100000xf32, #tpu.memory_space<vmem_shared>>
      tpu.wait_indirect_dma semaphore(%arg24 : memref<!tpu.dma_semaphore, #tpu.memory_space<semaphore_mem>>) src(%dma_wait3A_151 : memref<100000xf32, #tpu.memory_space<vmem_shared>>) dst(%arg19 : memref<2000xf32, #tpu.memory_space<vmem>>)
      %dma_wait3A_152 = arith.constant 0 : i32
      %dma_wait3A_153 = tpu.memref_slice %arg11[%dma_wait3A_152] : memref<100000xf32, #tpu.memory_space<vmem_shared>> -> memref<100000xf32, #tpu.memory_space<vmem_shared>>
      tpu.wait_indirect_dma semaphore(%arg24 : memref<!tpu.dma_semaphore, #tpu.memory_space<semaphore_mem>>) src(%dma_wait3A_153 : memref<100000xf32, #tpu.memory_space<vmem_shared>>) dst(%arg20 : memref<2000xf32, #tpu.memory_space<vmem>>)
      %dma_wait3A_154 = arith.constant 0 : i32
      %dma_wait3A_155 = tpu.memref_slice %arg12[%dma_wait3A_154] : memref<100000xf32, #tpu.memory_space<vmem_shared>> -> memref<100000xf32, #tpu.memory_space<vmem_shared>>
      tpu.wait_indirect_dma semaphore(%arg24 : memref<!tpu.dma_semaphore, #tpu.memory_space<semaphore_mem>>) src(%dma_wait3A_155 : memref<100000xf32, #tpu.memory_space<vmem_shared>>) dst(%arg21 : memref<2000xf32, #tpu.memory_space<vmem>>)
      %scan3A_156 = arith.constant 0 : i32
      %scan3A_157 = arith.constant 0 : i32
      %scan3A_158 = arith.constant 125 : i32
      %scan3A_159 = arith.addi %scan3A_157, %scan3A_158 : i32
      %scan3A_160 = arith.constant 1 : i32
      scf.for %scan3A_162 = %scan3A_157 to %scan3A_159 step %scan3A_160  : i32 {
        %mul3A_163 = arith.constant 48 : i32
        %mul3A_164 = arith.muli %mul3A_163, %scan3A_162 : i32
        %get3A_165 = arith.index_cast %mul3A_164 : i32 to index
        %get3A_166 = tpu.vector_load %arg15[%get3A_165] {strides = array<i32>} : memref<6000xf32, #tpu.memory_space<vmem>>, vector<16xf32>,
        %get3A_167 = vector.shape_cast %get3A_166 : vector<16xf32> to vector<16xf32>
        %mul3A_168 = arith.constant 48 : i32
        %mul3A_169 = arith.muli %mul3A_168, %scan3A_162 : i32
        %add3A_170 = arith.constant 16 : i32
        %add3A_171 = arith.addi %mul3A_169, %add3A_170 : i32
        %get3A_172 = arith.index_cast %add3A_171 : i32 to index
        %get3A_173 = tpu.vector_load %arg15[%get3A_172] {strides = array<i32>} : memref<6000xf32, #tpu.memory_space<vmem>>, vector<16xf32>,
        %get3A_174 = vector.shape_cast %get3A_173 : vector<16xf32> to vector<16xf32>
        %mul3A_175 = arith.constant 48 : i32
        %mul3A_176 = arith.muli %mul3A_175, %scan3A_162 : i32
        %add3A_177 = arith.constant 32 : i32
        %add3A_178 = arith.addi %mul3A_176, %add3A_177 : i32
        %get3A_179 = arith.index_cast %add3A_178 : i32 to index
        %get3A_180 = tpu.vector_load %arg15[%get3A_179] {strides = array<i32>} : memref<6000xf32, #tpu.memory_space<vmem>>, vector<16xf32>,
        %get3A_181 = vector.shape_cast %get3A_180 : vector<16xf32> to vector<16xf32>
        %broadcast_in_dim3A_182 = vector.shape_cast %and3A_79 : vector<16xi32> to vector<16x1xi32>
        %gather3A_183 = vector.shape_cast %broadcast_in_dim3A_182 : vector<16x1xi32> to vector<16xi32>
        %gather3A_184 = tpu.dynamic_gather %get3A_167[%gather3A_183] in [0] : vector<16xf32>, vector<16xi32> -> vector<16xf32>
        %broadcast_in_dim3A_185 = vector.shape_cast %and3A_79 : vector<16xi32> to vector<16x1xi32>
        %gather3A_186 = vector.shape_cast %broadcast_in_dim3A_185 : vector<16x1xi32> to vector<16xi32>
        %gather3A_187 = tpu.dynamic_gather %get3A_174[%gather3A_186] in [0] : vector<16xf32>, vector<16xi32> -> vector<16xf32>
        %broadcast_in_dim3A_188 = vector.shape_cast %and3A_79 : vector<16xi32> to vector<16x1xi32>
        %gather3A_189 = vector.shape_cast %broadcast_in_dim3A_188 : vector<16x1xi32> to vector<16xi32>
        %gather3A_190 = tpu.dynamic_gather %get3A_181[%gather3A_189] in [0] : vector<16xf32>, vector<16xi32> -> vector<16xf32>
        %select_n3A = arith.select %eq3A_108, %gather3A_187, %gather3A_190 : vector<16xi1>, vector<16xf32>
        %select_n3A_191 = arith.select %eq3A_90, %gather3A_184, %select_n3A : vector<16xi1>, vector<16xf32>
        %broadcast_in_dim3A_192 = vector.shape_cast %and3A_82 : vector<16xi32> to vector<16x1xi32>
        %gather3A_193 = vector.shape_cast %broadcast_in_dim3A_192 : vector<16x1xi32> to vector<16xi32>
        %gather3A_194 = tpu.dynamic_gather %get3A_167[%gather3A_193] in [0] : vector<16xf32>, vector<16xi32> -> vector<16xf32>
        %broadcast_in_dim3A_195 = vector.shape_cast %and3A_82 : vector<16xi32> to vector<16x1xi32>
        %gather3A_196 = vector.shape_cast %broadcast_in_dim3A_195 : vector<16x1xi32> to vector<16xi32>
        %gather3A_197 = tpu.dynamic_gather %get3A_174[%gather3A_196] in [0] : vector<16xf32>, vector<16xi32> -> vector<16xf32>
        %broadcast_in_dim3A_198 = vector.shape_cast %and3A_82 : vector<16xi32> to vector<16x1xi32>
        %gather3A_199 = vector.shape_cast %broadcast_in_dim3A_198 : vector<16x1xi32> to vector<16xi32>
        %gather3A_200 = tpu.dynamic_gather %get3A_181[%gather3A_199] in [0] : vector<16xf32>, vector<16xi32> -> vector<16xf32>
        %select_n3A_201 = arith.select %eq3A_114, %gather3A_197, %gather3A_200 : vector<16xi1>, vector<16xf32>
        %select_n3A_202 = arith.select %eq3A_96, %gather3A_194, %select_n3A_201 : vector<16xi1>, vector<16xf32>
        %broadcast_in_dim3A_203 = vector.shape_cast %and3A_85 : vector<16xi32> to vector<16x1xi32>
        %gather3A_204 = vector.shape_cast %broadcast_in_dim3A_203 : vector<16x1xi32> to vector<16xi32>
        %gather3A_205 = tpu.dynamic_gather %get3A_167[%gather3A_204] in [0] : vector<16xf32>, vector<16xi32> -> vector<16xf32>
        %broadcast_in_dim3A_206 = vector.shape_cast %and3A_85 : vector<16xi32> to vector<16x1xi32>
        %gather3A_207 = vector.shape_cast %broadcast_in_dim3A_206 : vector<16x1xi32> to vector<16xi32>
        %gather3A_208 = tpu.dynamic_gather %get3A_174[%gather3A_207] in [0] : vector<16xf32>, vector<16xi32> -> vector<16xf32>
        %broadcast_in_dim3A_209 = vector.shape_cast %and3A_85 : vector<16xi32> to vector<16x1xi32>
        %gather3A_210 = vector.shape_cast %broadcast_in_dim3A_209 : vector<16x1xi32> to vector<16xi32>
        %gather3A_211 = tpu.dynamic_gather %get3A_181[%gather3A_210] in [0] : vector<16xf32>, vector<16xi32> -> vector<16xf32>
        %select_n3A_212 = arith.select %eq3A_120, %gather3A_208, %gather3A_211 : vector<16xi1>, vector<16xf32>
        %select_n3A_213 = arith.select %eq3A_102, %gather3A_205, %select_n3A_212 : vector<16xi1>, vector<16xf32>
        %mul3A_214 = arith.mulf %select_n3A_191, %gather3A_11 : vector<16xf32>
        %mul3A_215 = arith.mulf %select_n3A_202, %gather3A_29 : vector<16xf32>
        %add3A_216 = arith.addf %mul3A_214, %mul3A_215 : vector<16xf32>
        %mul3A_217 = arith.mulf %select_n3A_213, %gather3A_47 : vector<16xf32>
        %add3A_218 = arith.addf %add3A_216, %mul3A_217 : vector<16xf32>
        %mul3A_219 = arith.mulf %select_n3A_191, %gather3A_17 : vector<16xf32>
        %mul3A_220 = arith.mulf %select_n3A_202, %gather3A_35 : vector<16xf32>
        %add3A_221 = arith.addf %mul3A_219, %mul3A_220 : vector<16xf32>
        %mul3A_222 = arith.mulf %select_n3A_213, %gather3A_53 : vector<16xf32>
        %add3A_223 = arith.addf %add3A_221, %mul3A_222 : vector<16xf32>
        %mul3A_224 = arith.mulf %select_n3A_191, %gather3A_23 : vector<16xf32>
        %mul3A_225 = arith.mulf %select_n3A_202, %gather3A_41 : vector<16xf32>
        %add3A_226 = arith.addf %mul3A_224, %mul3A_225 : vector<16xf32>
        %mul3A_227 = arith.mulf %select_n3A_213, %gather3A_59 : vector<16xf32>
        %add3A_228 = arith.addf %add3A_226, %mul3A_227 : vector<16xf32>
        %mul3A_229 = arith.constant 16 : i32
        %mul3A_230 = arith.muli %mul3A_229, %scan3A_162 : i32
        %get3A_231 = arith.index_cast %mul3A_230 : i32 to index
        %get3A_232 = tpu.vector_load %arg19[%get3A_231] {strides = array<i32>} : memref<2000xf32, #tpu.memory_space<vmem>>, vector<16xf32>,
        %get3A_233 = vector.shape_cast %get3A_232 : vector<16xf32> to vector<16xf32>
        %get3A_234 = arith.index_cast %mul3A_230 : i32 to index
        %get3A_235 = tpu.vector_load %arg16[%get3A_234] {strides = array<i32>} : memref<2000xf32, #tpu.memory_space<vmem>>, vector<16xf32>,
        %get3A_236 = vector.shape_cast %get3A_235 : vector<16xf32> to vector<16xf32>
        %sub3A = arith.subf %get3A_233, %get3A_236 : vector<16xf32>
        %sub3A_237 = arith.subf %sub3A, %add3A_218 : vector<16xf32>
        %get3A_238 = arith.index_cast %mul3A_230 : i32 to index
        %get3A_239 = tpu.vector_load %arg20[%get3A_238] {strides = array<i32>} : memref<2000xf32, #tpu.memory_space<vmem>>, vector<16xf32>,
        %get3A_240 = vector.shape_cast %get3A_239 : vector<16xf32> to vector<16xf32>
        %get3A_241 = arith.index_cast %mul3A_230 : i32 to index
        %get3A_242 = tpu.vector_load %arg17[%get3A_241] {strides = array<i32>} : memref<2000xf32, #tpu.memory_space<vmem>>, vector<16xf32>,
        %get3A_243 = vector.shape_cast %get3A_242 : vector<16xf32> to vector<16xf32>
        %sub3A_244 = arith.subf %get3A_240, %get3A_243 : vector<16xf32>
        %sub3A_245 = arith.subf %sub3A_244, %add3A_223 : vector<16xf32>
        %get3A_246 = arith.index_cast %mul3A_230 : i32 to index
        %get3A_247 = tpu.vector_load %arg21[%get3A_246] {strides = array<i32>} : memref<2000xf32, #tpu.memory_space<vmem>>, vector<16xf32>,
        %get3A_248 = vector.shape_cast %get3A_247 : vector<16xf32> to vector<16xf32>
        %get3A_249 = arith.index_cast %mul3A_230 : i32 to index
        %get3A_250 = tpu.vector_load %arg18[%get3A_249] {strides = array<i32>} : memref<2000xf32, #tpu.memory_space<vmem>>, vector<16xf32>,
        %get3A_251 = vector.shape_cast %get3A_250 : vector<16xf32> to vector<16xf32>
        %sub3A_252 = arith.subf %get3A_248, %get3A_251 : vector<16xf32>
        %sub3A_253 = arith.subf %sub3A_252, %add3A_228 : vector<16xf32>
        %mul3A_254 = arith.mulf %sub3A_237, %sub3A_237 : vector<16xf32>
        %mul3A_255 = arith.mulf %sub3A_245, %sub3A_245 : vector<16xf32>
        %add3A_256 = arith.addf %mul3A_254, %mul3A_255 : vector<16xf32>
        %mul3A_257 = arith.mulf %sub3A_253, %sub3A_253 : vector<16xf32>
        %add3A_258 = arith.addf %add3A_256, %mul3A_257 : vector<16xf32>
        %max3A = arith.constant 1.000000e-30 : f32
        %max3A_259 = vector.broadcast %max3A : f32 to vector<16xf32>
        %max3A_260 = arith.maximumf %add3A_258, %max3A_259 : vector<16xf32>
        %bitcast_convert_type3A = tpu.bitcast %max3A_260 : vector<16xf32> -> vector<16xi32>
        %shift_right_arithmetic3A_261 = arith.constant 1 : i32
        %shift_right_arithmetic3A_262 = vector.broadcast %shift_right_arithmetic3A_261 : i32 to vector<16xi32>
        %shift_right_arithmetic3A_263 = arith.shrsi %bitcast_convert_type3A, %shift_right_arithmetic3A_262 : vector<16xi32>
        %sub3A_264 = arith.constant 1597463007 : i32
        %sub3A_265 = vector.broadcast %sub3A_264 : i32 to vector<16xi32>
        %sub3A_266 = arith.subi %sub3A_265, %shift_right_arithmetic3A_263 : vector<16xi32>
        %bitcast_convert_type3A_267 = tpu.bitcast %sub3A_266 : vector<16xi32> -> vector<16xf32>
        %mul3A_268 = arith.constant 5.000000e-01 : f32
        %mul3A_269 = vector.broadcast %mul3A_268 : f32 to vector<16xf32>
        %mul3A_270 = arith.mulf %mul3A_269, %max3A_260 : vector<16xf32>
        %mul3A_271 = arith.mulf %mul3A_270, %bitcast_convert_type3A_267 : vector<16xf32>
        %mul3A_272 = arith.mulf %mul3A_271, %bitcast_convert_type3A_267 : vector<16xf32>
        %sub3A_273 = arith.constant 1.500000e+00 : f32
        %sub3A_274 = vector.broadcast %sub3A_273 : f32 to vector<16xf32>
        %sub3A_275 = arith.subf %sub3A_274, %mul3A_272 : vector<16xf32>
        %mul3A_276 = arith.mulf %bitcast_convert_type3A_267, %sub3A_275 : vector<16xf32>
        %mul3A_277 = arith.constant 5.000000e-01 : f32
        %mul3A_278 = vector.broadcast %mul3A_277 : f32 to vector<16xf32>
        %mul3A_279 = arith.mulf %mul3A_278, %max3A_260 : vector<16xf32>
        %mul3A_280 = arith.mulf %mul3A_279, %mul3A_276 : vector<16xf32>
        %mul3A_281 = arith.mulf %mul3A_280, %mul3A_276 : vector<16xf32>
        %sub3A_282 = arith.constant 1.500000e+00 : f32
        %sub3A_283 = vector.broadcast %sub3A_282 : f32 to vector<16xf32>
        %sub3A_284 = arith.subf %sub3A_283, %mul3A_281 : vector<16xf32>
        %mul3A_285 = arith.mulf %mul3A_276, %sub3A_284 : vector<16xf32>
        %mul3A_286 = arith.constant 5.000000e-01 : f32
        %mul3A_287 = vector.broadcast %mul3A_286 : f32 to vector<16xf32>
        %mul3A_288 = arith.mulf %mul3A_287, %max3A_260 : vector<16xf32>
        %mul3A_289 = arith.mulf %mul3A_288, %mul3A_285 : vector<16xf32>
        %mul3A_290 = arith.mulf %mul3A_289, %mul3A_285 : vector<16xf32>
        %sub3A_291 = arith.constant 1.500000e+00 : f32
        %sub3A_292 = vector.broadcast %sub3A_291 : f32 to vector<16xf32>
        %sub3A_293 = arith.subf %sub3A_292, %mul3A_290 : vector<16xf32>
        %mul3A_294 = arith.mulf %mul3A_285, %sub3A_293 : vector<16xf32>
        %mul3A_295 = arith.mulf %add3A_258, %mul3A_294 : vector<16xf32>
        %swap3A = arith.index_cast %mul3A_230 : i32 to index
        %swap3A_296 = tpu.vector_load %arg22[%swap3A] {strides = array<i32>} : memref<2000xf32, #tpu.memory_space<vmem>>, vector<16xf32>,
        %swap3A_297 = vector.shape_cast %swap3A_296 : vector<16xf32> to vector<16xf32>
        %swap3A_298 = vector.shape_cast %mul3A_295 : vector<16xf32> to vector<16xf32>
        tpu.vector_store %arg22[%swap3A], %swap3A_298 {strides = array<i32>} : memref<2000xf32, #tpu.memory_space<vmem>>, vector<16xf32>,
      }
      %scan3A_161 = arith.constant 125 : i32
      "tpu.region"() ({
        %run_scoped3A = tpu.sem_alloc : memref<!tpu.dma_semaphore, #tpu.memory_space<semaphore_mem>>
        %dma_start3A_162 = tpu.memref_slice %arg9[%mul3A_131] : memref<6400000xf32, #tpu.memory_space<hbm>> -> memref<2000xf32, #tpu.memory_space<hbm>>
        %dma_start3A_163 = tpu.memref_slice %arg9[%mul3A_131] : memref<6400000xf32, #tpu.memory_space<hbm>> -> memref<2000xf32, #tpu.memory_space<hbm>>
        tpu.enqueue_dma source(%arg22 : memref<2000xf32, #tpu.memory_space<vmem>>) target(%dma_start3A_163 : memref<2000xf32, #tpu.memory_space<hbm>>) target_semaphore(%run_scoped3A : memref<!tpu.dma_semaphore, #tpu.memory_space<semaphore_mem>>)
        %dma_wait3A_164 = tpu.memref_slice %arg9[%mul3A_131] : memref<6400000xf32, #tpu.memory_space<hbm>> -> memref<2000xf32, #tpu.memory_space<hbm>>
        %dma_wait3A_165 = tpu.memref_slice %arg9[%mul3A_131] : memref<6400000xf32, #tpu.memory_space<hbm>> -> memref<2000xf32, #tpu.memory_space<hbm>>
        tpu.wait_dma2 semaphore(%run_scoped3A : memref<!tpu.dma_semaphore, #tpu.memory_space<semaphore_mem>>) src(%arg22 : memref<2000xf32, #tpu.memory_space<vmem>>) dst(%dma_wait3A_165 : memref<2000xf32, #tpu.memory_space<hbm>>)
        tpu.yield
      }) : () -> ()
    }
    %scan3A_125 = arith.constant 100 : i32
    return
  }
}

</mosaic_0001>

<sc_bundles>
// kernel: kernel.3.cloned.1.call-start
scs
__scs_entry_jumppad:
0x0: {  	(pc) =	sbr.rel $0x88, $3  }
0x1: {  	(tag) =	ssettag $0x0;
	lr =	simm.s32 $0x1  }
0x2: {  	[smem:$0x3F9D] =	sst lr;
	_ =	strace $0xD0000000  }
0x3: {  	_ = 	snop  }
0x4: {  	_ = 	snop  }
0x5: {  	_ = 	snop  }
0x6: {  	_ = 	snop  }
0x7: {  	_ = 	snop  }
__scs_overlays_trampoline_lowered:
0x8: {  	[smem:$0x3FAC] =	sst s0  }
0x9: {  	[smem:$0x3FAD] =	sst s1  }
0xa: {  	[smem:$0x3FAE] =	sst s2  }
0xb: {  	[smem:$0x3FAF] =	sst s3  }
0xc: {  	[smem:$0x3FB0] =	sst s4  }
0xd: {  	[smem:$0x3FB1] =	sst s5  }
0xe: {  	[smem:$0x3FB2] =	sst s6  }
0xf: {  	[smem:$0x3FB3] =	sst s7  }
0x10: {  	[smem:$0x3FB4] =	sst s8  }
0x11: {  	[smem:$0x3FB5] =	sst s9;
	s0 =	simm.s32 @!p0 $0x0  }
0x12: {  	s1 =	sld [smem:$0x3F9B];
	s0 =	simm.s32 @p0 $0x1  }
0x13: {  	[smem:$0x3FB6] =	sst s0;
	s0 =	simm.s32 @!p1 $0x0  }
0x14: {  	s2 =	sld [smem:$0x3F9A];
	s0 =	simm.s32 @p1 $0x1  }
0x15: {  	[smem:$0x3FB7] =	sst s0;
	s0 =	simm.s32 @!p2 $0x0  }
0x16: {  	s3 =	sld [smem:$0x3FDB];
	s0 =	simm.s32 @p2 $0x1  }
0x17: {  	s4 =	simm.s32 $0x1BF5;
	[smem:$0x3FB9] =	sst s0  }
0x18: {  	s0 =	sld [smem:$0x3F9C];
	_ =	swait.ge [sflag:s4], $0x0  }
0x19: {  	s7 =	sld [smem:$0x3F9D]  }
0x1a: {  	s8 =	sadd.s32 $0xFFFFE003, lr  }
0x1b: {  	s9 =	sadd.s32 $0xFFFFFEF7, lr;
	s5 =	simm.s32 $0xFFFFFFFF;
	p2 =	slt.u32 s8, $0xFFFFF086  }
0x1c: {  	p1 =	slt.u32 s9, $0xF7A;
	s5 =	simm.s32 @!p2 $0x0  }
0x1d: {  	s5 =	simm.s32 @p1 $0x1;
	p0 =	seq.s32 s7, s2  }
0x1e: {  	s7 =	smul.u32 @!p0 $0xF7A, s2;
	p2 =	seq.s32 @!p0 s5, $0x0  }
0x1f: {  	s9 =	smul.u32 $0xF7A, s1;
	s8 =	simm.s32 @!p0 $0x1BF5;
	p2 =	por !p2, p0  }
0x20: {  	[sflag:s8] =	ssyncset.s32 @!p0 $0xFFFFF086;
	s6 =	sadd.s32 @!p0 s3, s7;
	s7 =	simm.s32 @!p0 $0x108  }
0x21: {  	s3 =	sadd.s32 s3, s9;
	s6 =	sadd.s32 @!p0 $0x88, s6;
	s7 =	simm.s32 @p2 $0x1082  }
0x22: {  	[simem:s7], [sflag:s8] =	dma.local @!p0 [hbm:s6], $0xF7A  }
0x23: {  	s9 =	sor.u32 $0xD0000000, s2;
	s6 =	simm.s32 $0x108;
	_ =	swait.ge @!p0 [sflag:s8], $0x0  }
0x24: {  	s3 =	sadd.s32 $0x88, s3;
	s6 =	simm.s32 @!p1 $0x1082;
	[sflag:s4] =	ssyncset.s32 $0xFFFFF086  }
0x25: {  	[simem:s6], [sflag:s4] =	dma.local [hbm:s3], $0xF7A  }
0x26: {  	[smem:$0x3F9D] =	sst s1;
	(tag) =	ssettag s2;
	_ =	strace s9  }
0x27: {  	s1 =	sld [smem:$0x3FAD]  }
0x28: {  	s2 =	sld [smem:$0x3FAE]  }
0x29: {  	s4 =	sld [smem:$0x3FB0]  }
0x2a: {  	p0 =	seq.s32 s5, $0x0;
	s5 =	sld [smem:$0x3FB1]  }
0x2b: {  	s6 =	sld [smem:$0x3FB2]  }
0x2c: {  	s7 =	sld [smem:$0x3FB3]  }
0x2d: {  	s3 =	simm.s32 $0x108;
	s8 =	sld [smem:$0x3FB4]  }
0x2e: {  	s3 =	simm.s32 @!p0 $0x1082;
	s9 =	sld [smem:$0x3FB5]  }
0x2f: {  	lr =	sadd.s32 s0, s3;
	s0 =	sld [smem:$0x3FAC]  }
0x30: {  	s3 =	sld [smem:$0x3FAF]  }
0x31: {  	[smem:$0x3FB8] =	sst s10  }
0x32: {  	s10 =	sld [smem:$0x3FB6];
	_ =	sdelay $0x3  }
0x33: {  	p0 =	seq.s32 s10, $0x1;
	s10 =	sld [smem:$0x3FB8];
	_ =	sdelay $0x3  }
0x34: {  	[smem:$0x3FB8] =	sst s10  }
0x35: {  	s10 =	sld [smem:$0x3FB7];
	_ =	sdelay $0x3  }
0x36: {  	p1 =	seq.s32 s10, $0x1;
	s10 =	sld [smem:$0x3FB8];
	_ =	sdelay $0x3  }
0x37: {  	[smem:$0x3FB8] =	sst s10  }
0x38: {  	s10 =	sld [smem:$0x3FB9]  }
0x39: {  	_ = 	snop;
	(pc) =	sbr.ind lr, $3  }
0x3a: {  	_ = 	snop  }
0x3b: {  	_ = 	snop  }
0x3c: {  	p2 =	seq.s32 s10, $0x1;
	s10 =	sld [smem:$0x3FB8]  }
0x3d: {  	_ =	shalt  }
0x3e: {  	_ =	shalt  }
0x3f: {  	_ =	shalt  }
0x40: {  	_ =	shalt  }
0x41: {  	_ =	shalt  }
0x42: {  	_ =	shalt  }
0x43: {  	_ =	shalt  }
0x44: {  	_ =	shalt  }
0x45: {  	_ =	shalt  }
0x46: {  	_ =	shalt  }
0x47: {  	_ =	shalt  }
0x48: {  	_ =	shalt  }
0x49: {  	_ =	shalt  }
0x4a: {  	_ =	shalt  }
0x4b: {  	_ =	shalt  }
0x4c: {  	_ =	shalt  }
0x4d: {  	_ =	shalt  }
0x4e: {  	_ =	shalt  }
0x4f: {  	_ =	shalt  }
0x50: {  	_ =	shalt  }
0x51: {  	_ =	shalt  }
0x52: {  	_ =	shalt  }
0x53: {  	_ =	shalt  }
0x54: {  	_ =	shalt  }
0x55: {  	_ =	shalt  }
0x56: {  	_ =	shalt  }
0x57: {  	_ =	shalt  }
0x58: {  	_ =	shalt  }
0x59: {  	_ =	shalt  }
0x5a: {  	_ =	shalt  }
0x5b: {  	_ =	shalt  }
0x5c: {  	_ =	shalt  }
0x5d: {  	_ =	shalt  }
0x5e: {  	_ =	shalt  }
0x5f: {  	_ =	shalt  }
0x60: {  	_ =	shalt  }
0x61: {  	_ =	shalt  }
0x62: {  	_ =	shalt  }
0x63: {  	_ =	shalt  }
0x64: {  	_ =	shalt  }
0x65: {  	_ =	shalt  }
0x66: {  	_ =	shalt  }
0x67: {  	_ =	shalt  }
0x68: {  	_ =	shalt  }
0x69: {  	_ =	shalt  }
0x6a: {  	_ =	shalt  }
0x6b: {  	_ =	shalt  }
0x6c: {  	_ =	shalt  }
0x6d: {  	_ =	shalt  }
0x6e: {  	_ =	shalt  }
0x6f: {  	_ =	shalt  }
0x70: {  	_ =	shalt  }
0x71: {  	_ =	shalt  }
0x72: {  	_ =	shalt  }
0x73: {  	_ =	shalt  }
0x74: {  	_ =	shalt  }
0x75: {  	_ =	shalt  }
0x76: {  	_ =	shalt  }
0x77: {  	_ =	shalt  }
0x78: {  	_ =	shalt  }
0x79: {  	_ =	shalt  }
0x7a: {  	_ =	shalt  }
0x7b: {  	_ =	shalt  }
0x7c: {  	_ =	shalt  }
0x7d: {  	_ =	shalt  }
0x7e: {  	_ =	shalt  }
0x7f: {  	_ =	shalt  }
0x80: {  	_ =	shalt  }
0x81: {  	_ =	shalt  }
0x82: {  	_ =	shalt  }
0x83: {  	_ =	shalt  }
0x84: {  	_ =	shalt  }
0x85: {  	_ =	shalt  }
0x86: {  	_ =	shalt  }
0x87: {  	_ =	shalt  }
.Lfunc_end0:
.L_simem_size_0:
called_computation_lowered:
.L_overlay_start_0:
0x88: {  	s2 =	sld [smem:$0x3FD9]  }
0x89: {  	s3 =	sld [smem:$0x3FFE];
	_ =	sdelay $0x1  }
0x8a: {  	s1 =	srdreg.scid  }
0x8b: {  	s0 =	sand.u32 $0x1, s1  }
0x8c: {  	s17 =	sshll.u32 s0, $0xA;
	s2 =	sadd.s32 s3, s2  }
0x8d: {  	s2 =	sadd.s32 s2, s17  }
0x8e: {  	[smem:$0x3FC4] =	sst s2  }
0x8f: {  	_ = 	snop  }
0x90: {  	s2 =	sld [smem:$0x3FD0];
	(tm) =	ssettm $0x1  }
0x91: {  	s18 =	sld [smem:$0x3FFB];
	_ =	sdelay $0x3  }
0x92: {  	_ =	strace s18  }
0x93: {  	s3 =	sld [smem:$0x3FFC];
	_ =	sdelay $0x3  }
0x94: {  	_ =	strace s3  }
0x95: {  	s3 =	sld [smem:$0x3FFD];
	_ =	sdelay $0x3  }
0x96: {  	_ =	strace s3  }
0x97: {  	_ =	strace $0x8FFFFFFF  }
0x98: {  	s19 =	sld [smem:$0x3FDB];
	_ =	sdelay $0x1  }
0x99: {  	s4 =	simm.s32 $_scs_section_size  }
0x9a: {  	s5 =	simm.s32 $_size__tile_overlayer_lowered;
	s6 =	simm.s32 $_tile_overlayer_lowered  }
0x9b: {  	s22 =	simm.s32 $0x1BFF;
	s21 =	sshll.u32 s6, $0x1;
	s3 =	sadd.s32 s4, s19  }
0x9c: {  	s7 =	simm.s32 $0x0;
	s20 =	sshll.u32 s5, $0x1;
	s5 =	sadd.s32 s21, s3  }
0x9d: {  	[timem:s7], [sflag:s22] =	dma.local [hbm:s5], s20  }
0x9e: {  	_ =	swait.ge [sflag:s22], s20  }
0x9f: {  	s4 =	ssub.s32 $0x0, s20;
	[sflag:s22] =	ssyncset.done $0x0  }
0xa0: {  	[sflag:s22] =	ssyncadd.s32 s4;
	_ =	sdelay $0x1  }
0xa1: {  	s23 =	simm.s32 $0x1B8B  }
0xa2: {  	_ =	swait.ge [sflag:s23], $0x1  }
0xa3: {  	[sflag:s23] =	ssyncset.done $0x0  }
0xa4: {  	s25 =	simm.s32 $0x1B8E;
	s24 =	sld [smem:$0x3FFE];
	[sflag:s23] =	ssyncadd.s32 $0xFFFFFFFF  }
0xa5: {  	s26 =	simm.s32 $execute0_lowered;
	[smem:$0x3FD2] =	sst s25  }
0xa6: {  	s5 =	sshll.u32 s26, $0x1;
	_ =	strace $0x80000046;
	[dreg:$0x1] =	wrdreg $0xFFFFFFFF  }
0xa7: {  	s28 =	simm.s32 $_size_execute0_lowered;
	s3 =	sadd.s32 s3, s5;
	[dreg:$0x0] =	wrdreg $0x0  }
0xa8: {  	s5 =	sshll.u32 s28, $0x1;
	[dreg:$0x2] =	wrdreg s3  }
0xa9: {  	[dreg:$0x3] =	wrdreg s5  }
0xaa: {  	[dreg:$0x4] =	wrdreg $0xC0  }
0xab: {  	_ =	task [dreg:s7], $0x5FFFF  }
0xac: {  	[dreg:$0x1] =	wrdreg $0xFFFFFFFF  }
0xad: {  	[dreg:$0x0] =	wrdreg $0x60  }
0xae: {  	[dreg:$0x2] =	wrdreg s24  }
0xaf: {  	[dreg:$0x3] =	wrdreg s2  }
0xb0: {  	[dreg:$0x4] =	wrdreg $0x0  }
0xb1: {  	[dreg:$0x5] =	wrdreg $0x18700  }
0xb2: {  	[dreg:$0x6] =	wrdreg $0x30E00  }
0xb3: {  	[dreg:$0x7] =	wrdreg $0x9  }
0xb4: {  	_ =	task.clear_ibuf [dreg:s7], $0x8FFFF;
	_ =	strace $0x90000046  }
0xb5: {  	s29 =	simm.s32 $0x9;
	_ =	strace $0x80000048  }
0xb6: {  	_ =	swait.ge [sflag:s29], $0x1  }
0xb7: {  	[sflag:s29] =	ssyncadd.s32 $0xFFFFFFFF  }
0xb8: {  	_ =	strace $0x90000048  }
0xb9: {  	_ =	sfence  }
0xba: {  	s30 =	sld [smem:$0x0];
	_ =	sdelay $0x2  }
0xbb: {  	s31 =	sshll.u32 s1, $0xD;
	s1 =	sshrl.u32 s1, $0x2  }
0xbc: {  	s3 =	sand.u32 $0x4000, s31;
	s1 =	sadd.s32 s1, s30  }
0xbd: {  	s0 =	sor.u32 s3, s0;
	s1 =	sshll.u32 s1, $0x11  }
0xbe: {  	s0 =	sor.u32 s1, s0  }
0xbf: {  	s0 =	sadd.s32 $0x8F2B, s0  }
0xc0: {  	[sflag:s0] =	ssyncadd.remote.s32 $0x1  }
0xc1: {  	_ =	sfence.sel $0xFFFF  }
0xc2: {  	[dreg:$0x0] =	wrdreg $0xFFFFFFFF;
	(pc) =	sbr.abs _section_cstart, $3  }
0xc3: {  	[dreg:$0x1] =	wrdreg $0xFFFFFFFF  }
0xc4: {  	_ =	task.clear_ibuf [dreg:s7], $0x2FFFF;
	_ =	strace $0x9FFFFFFF  }
0xc5: {  	(tm) =	ssettm $0x7FFFFFFF  }
tec
execute0_lowered:
.L_overlay_start_1:
0x0: {  	(tag) =	ssettag $0x1  }
0x1: {  	s13 =	rddreg [dreg:$0x0]  }
0x2: {  	s2 =	rddreg [dreg:$0x1]  }
0x3: {  	s3 =	rddreg [dreg:$0x2]  }
0x4: {  	s4 =	rddreg [dreg:$0x3]  }
0x5: {  	s5 =	rddreg [dreg:$0x4]  }
0x6: {  	s6 =	simm.s32 $0x0;
	s24 =	srdreg.scid;
	s25 =	stileid.u32  }
0x7: {  	v2 =	vimm.s32 $0xDA741EB8;
	s19 =	simm.s32 $0x2;
	s20 =	simm.s32 $0x4950;
	s21 =	simm.s32 $0x5150  }
0x8: {  	v0 =	vimm.s32 $0x0;
	v1 =	vimm.s32 $0x1;
	s22 =	simm.s32 $0x5950;
	s23 =	simm.s32 $0x7D0;
	s28 =	simm.s32 $0x88D0;
	v5 =	vunpack.c.l.s4.s8 v2  }
0x9: {  	v3 =	vimm.s32 $0x3;
	v7 =	vimm.s32 $0xEB852FC9;
	v8 =	vimm.s32 $0x630DA741;
	s29 =	simm.s32 $0x90D0;
	s30 =	simm.s32 $0x98D0;
	s31 =	simm.s32 $0x1  }
0xa: {  	v9 =	vimm.s32 $0xFC9630DA;
	s18 =	simm.s32 $0x0;
	[smem:$0x7FF] =	sst s6;
	s0 =	sadd.s32 $0x6400, s13;
	v6 =	vunpack.c.0.s8.s32 v5;
	v5 =	vimm.s32 $0x52FC9630  }
0xb: {  	v4 =	vimm.s32 $0x4;
	v10 =	vimm.s32 $0x741EB852;
	s1 =	sadd.s32 $0x3200, s13;
	s9 =	sadd.s32 $0xCCC00, s13;
	s10 =	sadd.s32 $0x9600, s13;
	v5 =	vunpack.c.l.s4.s8 v5  }
0xc: {  	vm0 =	vcmask $0x3F2C;
	s11 =	sadd.s32 $0x6338200, s13;
	s12 =	sshll.u32 s25, $0x1;
	v7 =	vunpack.c.l.s4.s8 v7;
	s13 =	sadd.s32 $0x190200, s13;
	v8 =	vunpack.c.l.s4.s8 v8  }
0xd: {  	p0 =	sne.s32 s25, $0x0;
	v9 =	vunpack.c.l.s4.s8 v9;
	v10 =	vunpack.c.l.s4.s8 v10;
	_ =	strace $0x80000047;
	[dreg:$0x6] =	wrdreg s0;
	v11 =	vunpack.c.0.s8.s32 v5  }
0xe: {  	vm1 =	vmmov $0x3f;
	s25 =	simm.s32 $0x78D0;
	[dreg:$0x7] =	wrdreg s1;
	s0 =	sand.u32 $0x1, s24;
	v12 =	vunpack.c.0.s8.s32 v7;
	v8 =	vunpack.c.0.s8.s32 v8  }
0xf: {  	[dreg:$0x8] =	wrdreg s13;
	s16 =	sshrl.u32 @!p0 s4, $0x3;
	s7 =	ssub.s32 $0x2, s0;
	v13 =	vunpack.c.0.s8.s32 v9;
	v10 =	vunpack.c.0.s8.s32 v10;
	v11 =	vcombine.low v11, v6  }
0x10: {  	vm2 =	vmmov $0x1f;
	vm3 =	vcmask $0x3F28;
	v2 =	vimm.s32 $0x2;
	s17 =	sshrl.u32 @!p0 s5, $0x3;
	s0 =	sor.u32 s0, s12;
	s8 =	sshrl.u32 s7, $0x1  }
0x11: {  	s13 =	smul.u32 $0x64, s0;
	s0 =	sshrl.u32 @!p0 s3, $0x3;
	s7 =	ssub.s32 s7, s8;
	v12 =	vcombine.low v8, v12;
	v9 =	vand.u32 $0xF, v11;
	v11 =	vcombine.low v10, v13  }
0x12: {  	s24 =	simm.s32 $0x70D0;
	v7 =	vimm.s32 $0x7;
	[dreg:$0xa] =	wrdreg s0;
	v8 =	vimm.s32 $0x8;
	s26 =	smax.u32 s7, $0x1;
	v5 =	vimm.s32 $0x5  }
0x13: {  	s0 =	simm.s32 $0xA0D0;
	[dreg:$0x9] =	wrdreg s26;
	s26 =	simm.s32 $0x80D0;
	v6 =	vimm.s32 $0x6;
	v10 =	vand.u32 $0xF, v12;
	v11 =	vand.u32 $0xF, v11  }
.LBB2_1:
0x14: {  	s7 =	rddreg [dreg:$0x6]  }
0x15: {  	s1 =	simm.s32 @!p0 $0x1C02;
	s8 =	rddreg [dreg:$0xa]  }
0x16: {  	[spmem:s8], [sflag:s1] =	dma.local @!p0 [hbm:s7], $0x30E0  }
0x17: {  	s7 =	simm.s32 @!p0 $0x2  }
0x18: {  	_ =	swait.ge @!p0 [sflag:s7], $0x30E0  }
0x19: {  	[sflag:s7] =	ssyncset.done @!p0 $0x0  }
0x1a: {  	s8 =	rddreg [dreg:$0x7];
	[sflag:s7] =	ssyncadd.s32 @!p0 $0xFFFFCF20  }
0x1b: {  	[spmem:s16], [sflag:s1] =	dma.local @!p0 [hbm:s8], $0x30E0  }
0x1c: {  	_ =	swait.ge @!p0 [sflag:s7], $0x30E0  }
0x1d: {  	[sflag:s7] =	ssyncset.done @!p0 $0x0  }
0x1e: {  	[sflag:s7] =	ssyncadd.s32 @!p0 $0xFFFFCF20  }
0x1f: {  	s8 =	rddreg [dreg:$0x0]  }
0x20: {  	[spmem:s17], [sflag:s1] =	dma.local @!p0 [hbm:s8], $0x30E0  }
0x21: {  	_ =	swait.ge @!p0 [sflag:s7], $0x30E0  }
0x22: {  	[sflag:s7] =	ssyncset.done @!p0 $0x0  }
0x23: {  	s15 =	simm.s32 $0xA8D0;
	s14 =	rddreg [dreg:$0x8];
	[sflag:s7] =	ssyncadd.s32 @!p0 $0xFFFFCF20  }
0x24: {  	[tilespmem:s15], [sflag:$0x2] =	stream.linear.gather [hbm4b:s14+s6], $0x80, $0x38;
	[tilespmem:$0xA950] =	vst v63  }
0x25: {  	_ =	swait.ge [sflag:s19], $0x80  }
0x26: {  	[sflag:s19] =	ssyncset.done $0x0  }
0x27: {  	[sflag:s19] =	ssyncadd.s32 $0xFFFFFF80  }
0x28: {  	[bflag:$0x0] =	sbarrier.arrive $0xFFFF  }
0x29: {  	v20 =	vld [tilespmem:$0xA8D0];
	_ =	sdelay $0x4  }
0x2a: {  	v12 =	vperm.xlane v20, v0  }
0x2b: {  	v13 =	vperm.xlane v20, v1;
	v14 =	vperm.xlane v20, v2  }
0x2c: {  	v15 =	vperm.xlane v20, v3;
	v16 =	vperm.xlane v20, v4  }
0x2d: {  	v17 =	vperm.xlane v20, v5;
	v18 =	vperm.xlane v20, v6  }
0x2e: {  	s1 =	simm.s32 $0x0;
	v19 =	vperm.xlane v20, v7;
	v20 =	vperm.xlane v20, v8  }
.LBB2_2:
0x2f: {  	s8 =	sadd.s32 s13, s1  }
0x30: {  	s7 =	smul.u32 $0xFA, s8;
	_ =	sdelay $0x1  }
0x31: {  	s14 =	simm.s32 $0x0;
	s12 =	sadd.s32 s9, s7  }
0x32: {  	[tilespmem:s20], [sflag:$0x2] =	stream.linear.gather [hbm4b:s12+s14], $0x7D0, $0x38;
	[tilespmem:$0xA950] =	vst v63  }
0x33: {  	_ =	swait.ge [sflag:s19], $0x7D0  }
0x34: {  	[sflag:s19] =	ssyncset.done $0x0  }
0x35: {  	s15 =	sadd.s32 s10, s7;
	[sflag:s19] =	ssyncadd.s32 $0xFFFFF830  }
0x36: {  	[tilespmem:s21], [sflag:$0x2] =	stream.linear.gather [hbm4b:s15+s14], $0x7D0, $0x38;
	[tilespmem:$0xA950] =	vst v63  }
0x37: {  	s8 =	smul.u32 $0x2EE, s8;
	_ =	swait.ge [sflag:s19], $0x7D0  }
0x38: {  	[sflag:s19] =	ssyncset.done $0x0  }
0x39: {  	s8 =	sadd.s32 s11, s8;
	[sflag:s19] =	ssyncadd.s32 $0xFFFFF830  }
0x3a: {  	[tilespmem:s22], [sflag:$0x2] =	stream.linear.gather [hbm4b:s8+s14], $0x1770, $0x38;
	[tilespmem:$0xA950] =	vst v63  }
0x3b: {  	_ =	swait.ge [sflag:s19], $0x1770  }
0x3c: {  	[sflag:s19] =	ssyncset.done $0x0  }
0x3d: {  	[sflag:s19] =	ssyncadd.s32 $0xFFFFE890  }
0x3e: {  	[tilespmem:s24], [sflag:$0x1] =	stream.indirect.gather [spmem:s3], $0x1, s20, s23, $0xb8;
	[tilespmem:$0xA950] =	vst v63  }
0x3f: {  	_ = 	snop  }
0x40: {  	[tilespmem:s25], [sflag:$0x1] =	stream.indirect.gather [spmem:s4], $0x1, s20, s23, $0xb8;
	[tilespmem:$0xA950] =	vst v63  }
0x41: {  	_ = 	snop  }
0x42: {  	[tilespmem:s26], [sflag:$0x1] =	stream.indirect.gather [spmem:s5], $0x1, s20, s23, $0xb8;
	[tilespmem:$0xA950] =	vst v63  }
0x43: {  	_ = 	snop  }
0x44: {  	[tilespmem:s28], [sflag:$0x1] =	stream.indirect.gather [spmem:s3], $0x1, s21, s23, $0xb8;
	[tilespmem:$0xA950] =	vst v63  }
0x45: {  	_ = 	snop  }
0x46: {  	[tilespmem:s29], [sflag:$0x1] =	stream.indirect.gather [spmem:s4], $0x1, s21, s23, $0xb8;
	[tilespmem:$0xA950] =	vst v63  }
0x47: {  	_ = 	snop  }
0x48: {  	[tilespmem:s30], [sflag:$0x1] =	stream.indirect.gather [spmem:s5], $0x1, s21, s23, $0xb8;
	[tilespmem:$0xA950] =	vst v63  }
0x49: {  	_ =	swait.ge [sflag:s31], $0x7D0  }
0x4a: {  	[sflag:s31] =	ssyncset.done $0x0  }
0x4b: {  	[sflag:s31] =	ssyncadd.s32 $0xFFFFF830  }
0x4c: {  	_ =	swait.ge [sflag:s31], $0x7D0  }
0x4d: {  	[sflag:s31] =	ssyncset.done $0x0  }
0x4e: {  	[sflag:s31] =	ssyncadd.s32 $0xFFFFF830  }
0x4f: {  	_ =	swait.ge [sflag:s31], $0x7D0  }
0x50: {  	[sflag:s31] =	ssyncset.done $0x0  }
0x51: {  	[sflag:s31] =	ssyncadd.s32 $0xFFFFF830  }
0x52: {  	_ =	swait.ge [sflag:s31], $0x7D0  }
0x53: {  	[sflag:s31] =	ssyncset.done $0x0  }
0x54: {  	[sflag:s31] =	ssyncadd.s32 $0xFFFFF830  }
0x55: {  	_ =	swait.ge [sflag:s31], $0x7D0  }
0x56: {  	[sflag:s31] =	ssyncset.done $0x0  }
0x57: {  	[sflag:s31] =	ssyncadd.s32 $0xFFFFF830  }
0x58: {  	_ =	swait.ge [sflag:s31], $0x7D0  }
0x59: {  	[sflag:s31] =	ssyncset.done $0x0  }
0x5a: {  	s8 =	simm.s32 $0x5960;
	[sflag:s31] =	ssyncadd.s32 $0xFFFFF830  }
0x5b: {  	v21 =	vld [tilespmem:s8+$0x10]  }
0x5c: {  	v22 =	vld [tilespmem:s8+$0x0]  }
0x5d: {  	v23 =	vld [tilespmem:s8+$0xFFFFFFF0];
	_ =	sdelay $0x2  }
0x5e: {  	v24 =	vperm.xlane v21, v9  }
0x5f: {  	s12 =	simm.s32 $0x0;
	v25 =	vperm.xlane v21, v10;
	v26 =	vperm.xlane v22, v9  }
0x60: {  	v30 =	vld [tilespmem:s12+$0x88D0];
	v27 =	vperm.xlane v23, v9;
	v28 =	vperm.xlane v22, v10  }
0x61: {  	v58 =	vld [tilespmem:s12+$0x70D0];
	v22 =	vperm.xlane v22, v11;
	v55 =	vperm.xlane v23, v10;
	v24 =	vsel vm0, v24, v26  }
0x62: {  	v29 =	vld [tilespmem:s12+$0x78D0];
	v21 =	vperm.xlane v21, v11;
	v25 =	vsel vm0, v25, v28;
	v24 =	vsel vm1, v27, v24  }
0x63: {  	v56 =	vld [tilespmem:s12+$0x90D0];
	v23 =	vperm.xlane v23, v11;
	v25 =	vsel vm2, v55, v25;
	v57 =	vmul.f32 v24, v12  }
0x64: {  	v32 =	vld [tilespmem:s12+$0x98D0];
	v21 =	vsel vm3, v21, v22;
	v22 =	vmul.f32 v25, v15;
	v31 =	vmul.f32 v25, v16  }
0x65: {  	v33 =	vld [tilespmem:s12+$0x80D0];
	v21 =	vsel vm2, v23, v21;
	v23 =	vmul.f32 v24, v13;
	v25 =	vmul.f32 v25, v17  }
0x66: {  	v61 =	vsub.f32 v30, v58;
	v59 =	vmul.f32 v21, v18;
	v24 =	vmul.f32 v24, v14  }
0x67: {  	v60 =	vmul.f32 v21, v19;
	v22 =	vadd.f32 v22, v57;
	v23 =	vadd.f32 v31, v23  }
0x68: {  	v27 =	vsub.f32 v56, v29;
	v21 =	vmul.f32 v21, v20;
	v24 =	vadd.f32 v25, v24  }
0x69: {  	v22 =	vadd.f32 v59, v22;
	v23 =	vadd.f32 v60, v23  }
0x6a: {  	v62 =	vsub.f32 v32, v33;
	v21 =	vadd.f32 v21, v24  }
0x6b: {  	v22 =	vsub.f32 v61, v22;
	v23 =	vsub.f32 v27, v23;
	_ =	sdelay $0x1  }
0x6c: {  	v21 =	vsub.f32 v62, v21;
	v22 =	vmul.f32 v22, v22;
	v23 =	vmul.f32 v23, v23;
	_ =	sdelay $0x1  }
0x6d: {  	v21 =	vmul.f32 v21, v21;
	v22 =	vadd.f32 v23, v22;
	_ =	sdelay $0x1  }
0x6e: {  	v21 =	vadd.f32 v21, v22;
	_ =	sdelay $0x1  }
0x6f: {  	v22 =	vmax.f32 v21, $1.000000000e-30  }
0x70: {  	v23 =	vshra.s32 v22, $0x1;
	v63 =	vmul.f32 $5.000000000e-01, v22  }
0x71: {  	v22 =	vsub.s32 $0x5F3759DF, v23  }
0x72: {  	v23 =	vmul.f32 v22, v63;
	_ =	sdelay $0x1  }
0x73: {  	v23 =	vmul.f32 v22, v23;
	_ =	sdelay $0x1  }
0x74: {  	v23 =	vsub.f32 $1.500000000e+00, v23;
	_ =	sdelay $0x1  }
0x75: {  	v22 =	vmul.f32 v22, v23;
	_ =	sdelay $0x1  }
0x76: {  	v23 =	vmul.f32 v22, v63;
	_ =	sdelay $0x1  }
0x77: {  	v23 =	vmul.f32 v23, v22;
	_ =	sdelay $0x1  }
0x78: {  	v23 =	vsub.f32 $1.500000000e+00, v23;
	_ =	sdelay $0x1  }
0x79: {  	v22 =	vmul.f32 v23, v22;
	_ =	sdelay $0x1  }
0x7a: {  	v23 =	vmul.f32 v22, v63;
	_ =	sdelay $0x1  }
0x7b: {  	s14 =	simm.s32 $0x40;
	v23 =	vmul.f32 v23, v22  }
.LBB2_3:
0x7c: {  	p1 =	sne.s32 s14, $0x1F00  }
0x7d: {  	s8 =	sadd.s32 $0x30, s8;
	s15 =	smov.u32 s14;
	s14 =	sadd.s32 $0x40, s14  }
0x7e: {  	v23 =	vsub.f32 $1.500000000e+00, v23;
	_ =	sdelay $0x1  }
0x7f: {  	v22 =	vmul.f32 v23, v22;
	_ =	sdelay $0x1  }
0x80: {  	v21 =	vmul.f32 v22, v21;
	_ =	sdelay $0x1  }
0x81: {  	[tilespmem:s12+$0xA0D0] =	vst v21  }
0x82: {  	v21 =	vld [tilespmem:s8+$0x10]  }
0x83: {  	v22 =	vld [tilespmem:s8+$0x0]  }
0x84: {  	v23 =	vld [tilespmem:s8+$0xFFFFFFF0];
	_ =	sdelay $0x2  }
0x85: {  	v24 =	vperm.xlane v21, v9;
	v25 =	vperm.xlane v21, v10  }
0x86: {  	s12 =	sshra.s32 s15, $0x2;
	v26 =	vperm.xlane v22, v9;
	v27 =	vperm.xlane v22, v11  }
0x87: {  	v22 =	vperm.xlane v22, v10;
	v28 =	vperm.xlane v23, v9;
	v29 =	vld [tilespmem:s12+$0x78D0]  }
0x88: {  	v21 =	vperm.xlane v21, v11;
	v24 =	vsel vm0, v24, v26;
	v26 =	vperm.xlane v23, v10;
	v30 =	vld [tilespmem:s12+$0x88D0]  }
0x89: {  	v22 =	vsel vm0, v25, v22;
	v23 =	vperm.xlane v23, v11;
	v24 =	vsel vm1, v28, v24;
	v25 =	vld [tilespmem:s12+$0x90D0]  }
0x8a: {  	v21 =	vsel vm3, v21, v27;
	v22 =	vsel vm2, v26, v22;
	v26 =	vmul.f32 v24, v12;
	v27 =	vld [tilespmem:s12+$0x70D0]  }
0x8b: {  	v21 =	vsel vm2, v23, v21;
	v23 =	vmul.f32 v22, v15;
	v28 =	vmul.f32 v22, v16;
	v31 =	vld [tilespmem:s12+$0x98D0]  }
0x8c: {  	v32 =	vmul.f32 v24, v13;
	v22 =	vmul.f32 v22, v17;
	v33 =	vld [tilespmem:s12+$0x80D0]  }
0x8d: {  	v24 =	vmul.f32 v24, v14;
	v23 =	vadd.f32 v23, v26;
	v26 =	vmul.f32 v21, v18  }
0x8e: {  	v28 =	vadd.f32 v28, v32;
	v32 =	vmul.f32 v21, v19;
	v25 =	vsub.f32 v25, v29  }
0x8f: {  	v23 =	vadd.f32 v26, v23;
	v26 =	vsub.f32 v30, v27  }
0x90: {  	v22 =	vadd.f32 v22, v24;
	v21 =	vmul.f32 v21, v20;
	v27 =	vadd.f32 v32, v28  }
0x91: {  	v23 =	vsub.f32 v26, v23;
	v24 =	vsub.f32 v31, v33  }
0x92: {  	v21 =	vadd.f32 v21, v22;
	v22 =	vsub.f32 v25, v27;
	_ =	sdelay $0x1  }
0x93: {  	v21 =	vsub.f32 v24, v21;
	v23 =	vmul.f32 v23, v23;
	v22 =	vmul.f32 v22, v22;
	_ =	sdelay $0x1  }
0x94: {  	v22 =	vadd.f32 v22, v23;
	v21 =	vmul.f32 v21, v21;
	_ =	sdelay $0x1  }
0x95: {  	v21 =	vadd.f32 v21, v22;
	_ =	sdelay $0x1  }
0x96: {  	v22 =	vmax.f32 v21, $1.000000000e-30  }
0x97: {  	v23 =	vshra.s32 v22, $0x1;
	v24 =	vmul.f32 $5.000000000e-01, v22  }
0x98: {  	v22 =	vsub.s32 $0x5F3759DF, v23  }
0x99: {  	v23 =	vmul.f32 v22, v24;
	_ =	sdelay $0x1  }
0x9a: {  	v23 =	vmul.f32 v22, v23;
	_ =	sdelay $0x1  }
0x9b: {  	v23 =	vsub.f32 $1.500000000e+00, v23;
	_ =	sdelay $0x1  }
0x9c: {  	v22 =	vmul.f32 v22, v23;
	_ =	sdelay $0x1  }
0x9d: {  	v23 =	vmul.f32 v22, v24;
	_ =	sdelay $0x1  }
0x9e: {  	v23 =	vmul.f32 v23, v22;
	_ =	sdelay $0x1  }
0x9f: {  	v23 =	vsub.f32 $1.500000000e+00, v23;
	_ =	sdelay $0x1  }
.Ltmp0:
0xa0: {  	v22 =	vmul.f32 v23, v22;
	(pc) =	sbr.rel @p1 .LBB2_3-.Ltmp0, $3  }
0xa1: {  	_ = 	snop  }
0xa2: {  	v23 =	vmul.f32 v22, v24;
	_ =	sdelay $0x1  }
0xa3: {  	v23 =	vmul.f32 v23, v22  }
0xa4: {  	_ = 	snop  }
0xa5: {  	v23 =	vsub.f32 $1.500000000e+00, v23;
	_ =	sdelay $0x1  }
0xa6: {  	v22 =	vmul.f32 v23, v22;
	_ =	sdelay $0x1  }
0xa7: {  	s1 =	sadd.s32 $0x1, s1;
	v21 =	vmul.f32 v22, v21  }
0xa8: {  	p1 =	sne.s32 s1, $0x64  }
.Ltmp1:
0xa9: {  	s7 =	sadd.s32 s2, s7;
	[tilespmem:s12+$0xA0D0] =	vst v21;
	(pc) =	sbr.rel @p1 .LBB2_2-.Ltmp1, $4  }
0xaa: {  	[hbm4b:s7+s6] =	stream.linear.scatter [tilespmem:s0], [sflag:$0x2], $0x7D0, $0x38;
	[tilespmem:$0xA950] =	vst v63  }
0xab: {  	_ =	swait.ge [sflag:s19], $0x7D0  }
0xac: {  	[sflag:s19] =	ssyncset.done $0x0  }
0xad: {  	[sflag:s19] =	ssyncadd.s32 $0xFFFFF830  }
0xae: {  	s18 =	sadd.s32 $0x1, s18;
	s1 =	rddreg [dreg:$0x9]  }
0xaf: {  	p1 =	sne.s32 s18, s1  }
.Ltmp2:
0xb0: {  	_ = 	snop;
	(pc) =	sbr.rel @p1 .LBB2_1-.Ltmp2, $1  }
0xb1: {  	_ =	sdelay $0x3  }
0xb2: {  	_ =	sfence.sel $0x180000  }
0xb3: {  	[bflag:$0x0] =	sbarrier.arrive $0xFFFF  }
0xb4: {  	_ =	strace $0x90000047  }
0xb5: {  	[bflag:$0x2] =	sbarrier.arrive $0xFFFF  }
0xb6: {  	s0 =	rddreg [dreg:$0x5]  }
0xb7: {  	s0 =	sadd.s32 @!p0 $0x100000, s0  }
0xb8: {  	[sflag:s0] =	ssyncadd.tile.s32 @!p0 $0x1;
	_ =	shalt  }
.Lfunc_end2:
_tile_overlayer_lowered:
.L_overlay_start_2:
0xb9: {  	(tag) =	ssettag $0x2  }
0xba: {  	s0 =	rddreg [dreg:$0x0];
	s2 =	stileid.u32  }
0xbb: {  	s1 =	rddreg [dreg:$0x1];
	p0 =	sne.s32 s2, $0x0  }
0xbc: {  	s3 =	rddreg [dreg:$0x2];
	[bflag:$0x3] =	sbarrier.arrive $0xFFFF;
	s2 =	simm.s32 @!p0 $0x1C02  }
0xbd: {  	[timem:s3], [sflag:s2] =	dma.local @!p0 [hbm:s0], s1  }
0xbe: {  	s0 =	simm.s32 @!p0 $0x2  }
0xbf: {  	_ =	swait.ge @!p0 [sflag:s0], s1  }
0xc0: {  	s1 =	ssub.s32 @!p0 $0x0, s1;
	[sflag:s0] =	ssyncset.done @!p0 $0x0  }
0xc1: {  	[sflag:s0] =	ssyncadd.s32 @!p0 s1  }
0xc2: {  	[bflag:$0x3] =	sbarrier.arrive $0xFFFF  }
0xc3: {  	_ =	shalt  }

</sc_bundles>
